<compile_context>
chip_gen: v7x
topology: tpu7x:2x2x1
jax: 0.10.2.dev20260603
libtpu: 0.0.44.dev20260713+nightly
codegen_flags: <defaults>
</compile_context>

<pallas_src>
import functools

import jax
import jax.numpy as jnp
from jax import lax
from jax.experimental import pallas as pl
from jax.experimental.pallas import tpu as pltpu
from jax.experimental.pallas import tpu_sc as plsc

_NC, _NS = 2, 16
_NW = _NC * _NS


def _pool_body(T, Bn, n, d, c, hw2,
               x_ref, logits_ref,
               xm_ref, cls_ref, maxp_ref, cnt_ref):
    t = pl.program_id(0)

    @pl.when(t == 0)
    def _classify():
        logits = logits_ref[...]
        m = jnp.max(logits, axis=1, keepdims=True)
        s = jnp.sum(jnp.exp(logits - m), axis=1, keepdims=True)
        maxp_ref[...] = 1.0 / s
        iota_c = jax.lax.broadcasted_iota(jnp.int32, (n, c), 1)
        is_max = logits == m
        idx = jnp.min(jnp.where(is_max, iota_c, c), axis=1, keepdims=True)
        cls_ref[...] = idx.reshape(n // 128, 128)
        one_hot = (iota_c == idx).astype(jnp.float32)
        ones = jnp.ones((n, 1), dtype=jnp.float32)
        cnt_ref[...] = jax.lax.dot_general(
            one_hot, ones, (((0,), (0,)), ((), ())),
            preferred_element_type=jnp.float32)

    xb = x_ref[...]
    xm_ref[...] = jnp.sum(xb, axis=0) / float(hw2)


def _sc_seg_body(C, RW, xm_hbm, cls_hbm, seg_hbm,
                 idx_v, rows_v, part_v):
    cid = lax.axis_index("c")
    sid = lax.axis_index("s")
    wid = cid * _NS + sid
    base = wid * RW
    d = rows_v.shape[1]

    def _zrow(i, _):
        def _zcol(j, _):
            part_v[i, pl.ds(j * 16, 16)] = jnp.zeros((16,), jnp.float32)
            return 0
        return lax.fori_loop(0, d // 16, _zcol, 0)
    lax.fori_loop(0, C, _zrow, 0)

    pltpu.sync_copy(cls_hbm.at[pl.ds(base, RW)], idx_v.at[pl.ds(0, RW)])
    pltpu.sync_copy(xm_hbm.at[pl.ds(base, RW)], rows_v)

    def _row(r, _):
        cls_r = idx_v[pl.ds(r, 16)][0]

        def _col(j, _, cls_r=cls_r, r=r):
            chunk = rows_v[r, pl.ds(j * 16, 16)]
            plsc.addupdate(part_v.at[cls_r, pl.ds(j * 16, 16)], chunk)
            return 0
        lax.fori_loop(0, d // 16, _col, 0)
        return 0
    lax.fori_loop(0, RW, _row, 0)

    pltpu.sync_copy(part_v, seg_hbm.at[wid])


def _finish_body(n, d, c,
                 xm_ref, seg_ref, cnt_ref, proto_ref,
                 proto_new_ref, sim_ref):
    counts = cnt_ref[...]
    exist = counts > 0.0
    seg = jnp.sum(seg_ref[...], axis=0)
    local_mean = jnp.where(exist, seg / jnp.maximum(counts, 1.0), seg)
    proto = proto_ref[...]
    num = jnp.sum(proto * local_mean, axis=1, keepdims=True)
    den = (jnp.sqrt(jnp.sum(proto * proto, axis=1, keepdims=True)) *
           jnp.sqrt(jnp.sum(local_mean * local_mean, axis=1, keepdims=True)))
    mom = num / jnp.maximum(den, 1e-8)
    proto_new = jnp.where(exist, proto * mom + local_mean * (1.0 - mom), proto)
    proto_new_ref[...] = proto_new
    pn_norm = jnp.sqrt(jnp.sum(proto_new * proto_new, axis=1, keepdims=True))
    pn = proto_new / jnp.maximum(pn_norm, 1e-8)
    Bs = 128
    for i in range(n // Bs):
        xmb = xm_ref[pl.ds(i * Bs, Bs), :]
        norms = jnp.sqrt(jnp.sum(xmb * xmb, axis=1, keepdims=True))
        xn = xmb / jnp.maximum(norms, 1e-8)
        sim_ref[pl.ds(i * Bs, Bs), :] = jax.lax.dot_general(
            xn, pn, (((1,), (1,)), ((), ())),
            preferred_element_type=jnp.float32)


def kernel(x, class_logits, prototypes):
    n, d, hw, hw_ = x.shape
    hw2 = hw * hw_
    c = prototypes.shape[0]
    Bn = 64
    T = n // Bn
    RW = n // _NW

    xt = jnp.transpose(x, (2, 3, 0, 1)).reshape(hw2, n, d)

    pool = functools.partial(_pool_body, T, Bn, n, d, c, hw2)
    xm, cls2, maxp2, cnt = pl.pallas_call(
        pool,
        grid=(T,),
        in_specs=[
            pl.BlockSpec((hw2, Bn, d), lambda t: (0, t, 0)),
            pl.BlockSpec((n, c), lambda t: (0, 0)),
        ],
        out_specs=[
            pl.BlockSpec((Bn, d), lambda t: (t, 0)),
            pl.BlockSpec((n // 128, 128), lambda t: (0, 0)),
            pl.BlockSpec((n, 1), lambda t: (0, 0)),
            pl.BlockSpec((c, 1), lambda t: (0, 0)),
        ],
        out_shape=[
            jax.ShapeDtypeStruct((n, d), jnp.float32),
            jax.ShapeDtypeStruct((n // 128, 128), jnp.int32),
            jax.ShapeDtypeStruct((n, 1), jnp.float32),
            jax.ShapeDtypeStruct((c, 1), jnp.float32),
        ],
    )(xt, class_logits)

    cls_flat = cls2.reshape(n)

    sc_body = functools.partial(_sc_seg_body, c, RW)
    seg2 = pl.kernel(
        sc_body,
        out_type=jax.ShapeDtypeStruct((_NW, c, d), jnp.float32),
        mesh=plsc.VectorSubcoreMesh(core_axis_name="c", subcore_axis_name="s"),
        compiler_params=pltpu.CompilerParams(needs_layout_passes=False),
        scratch_types=[
            pltpu.VMEM((RW + 16, ), jnp.int32),
            pltpu.VMEM((RW, d), jnp.float32),
            pltpu.VMEM((c, d), jnp.float32),
        ],
    )(xm, cls_flat)

    finish = functools.partial(_finish_body, n, d, c)
    proto_new, sim = pl.pallas_call(
        finish,
        grid=(1,),
        in_specs=[
            pl.BlockSpec((n, d), lambda i: (0, 0)),
            pl.BlockSpec((_NW, c, d), lambda i: (0, 0, 0)),
            pl.BlockSpec((c, 1), lambda i: (0, 0)),
            pl.BlockSpec((c, d), lambda i: (0, 0)),
        ],
        out_specs=[
            pl.BlockSpec((c, d), lambda i: (0, 0)),
            pl.BlockSpec((n, c), lambda i: (0, 0)),
        ],
        out_shape=[
            jax.ShapeDtypeStruct((c, d), jnp.float32),
            jax.ShapeDtypeStruct((n, c), jnp.float32),
        ],
    )(xm, seg2, cnt, prototypes)

    return proto_new, sim, cls_flat, maxp2.reshape(n)

# --- scband reference (transcript-rebuilt; emitter-appended) ---
"""Pipeline reference for scband-category-aware-dahead-23493471109707 (READ-ONLY COPY).

The authoritative reference and input builder live on the scoring server;
editing this copy changes nothing except your own understanding.
"""

import jax, jax.numpy as jnp
import numpy as np

N, D, C, HW = 1024, 1024, 21, 7

def setup_inputs(seed: int = 0):
    key = jax.random.key(seed)
    k1, k2, k3 = jax.random.split(key, 3)
    x = jax.random.normal(k1, (N, D, HW, HW), dtype=jnp.float32)
    class_logits = jax.random.normal(k2, (N, C), dtype=jnp.float32)
    prototypes = jax.random.normal(k3, (C, D), dtype=jnp.float32) * 0.1
    return {"x": x, "class_logits": class_logits, "prototypes": prototypes}

def _cos(a, b, eps=1e-8):
    num = jnp.sum(a * b, axis=-1)
    den = jnp.linalg.norm(a, axis=-1) * jnp.linalg.norm(b, axis=-1)
    return num / jnp.maximum(den, eps)

def reference(x, class_logits, prototypes):
    Cc, Dd = prototypes.shape
    n = x.shape[0]
    # class_logits.clone().detach() in torch -> stop_gradient
    pred_normed = jax.nn.softmax(jax.lax.stop_gradient(class_logits), axis=1)
    max_logit = jnp.max(pred_normed, axis=1)
    max_cls = jnp.argmax(pred_normed, axis=1)
    # AvgPool2d(kernel=7, stride=7) on [N, D, 7, 7] -> [N, D]
    x_mapped = jnp.mean(x, axis=(2, 3))
    x_new = jax.lax.stop_gradient(x_mapped)  # x_mapped.clone().detach()
    # 'cos' prototype update: scatter-add features by predicted class (vq-style codebook update)
    local_ptyps = jax.ops.segment_sum(x_new, max_cls, num_segments=Cc)
    counts = jax.ops.segment_sum(jnp.ones((n,), dtype=jnp.float32), max_cls, num_segments=Cc)
    exist = counts > 0
    local_mean = jnp.where(exist[:, None], local_ptyps / jnp.maximum(counts, 1.0)[:, None], local_ptyps)
    momentum = _cos(prototypes, local_mean)[:, None]
    proto_new = jnp.where(exist[:, None], prototypes * momentum + local_mean * (1.0 - momentum), prototypes)
    # vq-style assignment scores between pooled features and updated codebook
    xn = x_mapped / jnp.maximum(jnp.linalg.norm(x_mapped, axis=1, keepdims=True), 1e-8)
    pn = proto_new / jnp.maximum(jnp.linalg.norm(proto_new, axis=1, keepdims=True), 1e-8)
    sim = xn @ pn.T  # [N, C]
    return (proto_new, sim, max_cls, max_logit)

if __name__ == "__main__":
    import jax
    _d = setup_inputs()
    print(jax.jit(kernel)(*tuple(_d.values())))

</pallas_src>

<mosaic_0001>
#map = affine_map<(d0, d1) -> (0, 0)>
#map1 = affine_map<(d0, d1) -> (0)>
#map2 = affine_map<(d0, d1) -> (0, 0, 0)>
module attributes {stable_mosaic.version = 14 : i64} {
  func.func @_sc_seg_body(%arg0: i32, %arg1: i32, %arg2: memref<1024x1024xf32, #tpu.memory_space<hbm>>, %arg3: memref<1024xi32, #tpu.memory_space<hbm>>, %arg4: memref<32x21x1024xf32, #tpu.memory_space<hbm>>, %arg5: memref<48xi32, #tpu.memory_space<vmem>>, %arg6: memref<32x1024xf32, #tpu.memory_space<vmem>>, %arg7: memref<21x1024xf32, #tpu.memory_space<vmem>>) attributes {dimension_semantics = [#tpu.dimension_semantics<core_parallel>, #tpu.dimension_semantics<subcore_parallel>], iteration_bounds = array<i64: 2, 16>, scalar_prefetch = 0 : i64, scratch_operands = 3 : i64, tpu.core_type = #tpu.core_type<sc_vector_subcore>, window_params = [{transform_indices = #map}, {transform_indices = #map1}, {transform_indices = #map2}]} {
    %mul3A = arith.constant 16 : i32
    %mul3A_0 = arith.muli %arg0, %mul3A : i32
    %add3A = arith.addi %mul3A_0, %arg1 : i32
    %mul3A_1 = arith.constant 32 : i32
    %mul3A_2 = arith.muli %add3A, %mul3A_1 : i32
    %scan3A = arith.constant 0 : i32
    %scan3A_3 = arith.constant 0 : i32
    %scan3A_4 = arith.constant 21 : i32
    %scan3A_5 = arith.addi %scan3A_3, %scan3A_4 : i32
    %scan3A_6 = arith.constant 1 : i32
    %scan3A_7 = scf.for %scan3A_16 = %scan3A_3 to %scan3A_5 step %scan3A_6 iter_args(%scan3A_17 = %scan3A) -> (i32)  : i32 {
      %scan3A_18 = arith.constant 0 : i32
      %scan3A_19 = arith.constant 0 : i32
      %scan3A_20 = arith.constant 64 : i32
      %scan3A_21 = arith.addi %scan3A_19, %scan3A_20 : i32
      %scan3A_22 = arith.constant 1 : i32
      %scan3A_23 = scf.for %scan3A_25 = %scan3A_19 to %scan3A_21 step %scan3A_22 iter_args(%scan3A_26 = %scan3A_18) -> (i32)  : i32 {
        %broadcast_in_dim3A = arith.constant 0.000000e+00 : f32
        %broadcast_in_dim3A_27 = vector.broadcast %broadcast_in_dim3A : f32 to vector<16xf32>
        %mul3A_28 = arith.constant 16 : i32
        %mul3A_29 = arith.muli %scan3A_25, %mul3A_28 : i32
        %swap3A = arith.index_cast %scan3A_16 : i32 to index
        %swap3A_30 = arith.index_cast %mul3A_29 : i32 to index
        %swap3A_31 = tpu.vector_load %arg7[%swap3A, %swap3A_30] {strides = array<i32>} : memref<21x1024xf32, #tpu.memory_space<vmem>>, vector<16xf32>,
        tpu.vector_store %arg7[%swap3A, %swap3A_30], %broadcast_in_dim3A_27 {strides = array<i32>} : memref<21x1024xf32, #tpu.memory_space<vmem>>, vector<16xf32>,
        %scan3A_32 = arith.constant 0 : i32
        scf.yield %scan3A_32 : i32
      }
      %scan3A_24 = arith.constant 64 : i32
      scf.yield %scan3A_23 : i32
    }
    %scan3A_8 = arith.constant 21 : i32
    "tpu.region"() ({
      %run_scoped3A = tpu.sem_alloc : memref<!tpu.dma_semaphore, #tpu.memory_space<semaphore_mem>>
      %dma_start3A = arith.constant 0 : i32
      %dma_start3A_16 = tpu.memref_slice %arg5[%dma_start3A] : memref<48xi32, #tpu.memory_space<vmem>> -> memref<32xi32, #tpu.memory_space<vmem>>
      %dma_start3A_17 = tpu.memref_slice %arg3[%mul3A_2] : memref<1024xi32, #tpu.memory_space<hbm>> -> memref<32xi32, #tpu.memory_space<hbm>>
      %dma_start3A_18 = arith.constant 0 : i32
      %dma_start3A_19 = tpu.memref_slice %arg5[%dma_start3A_18] : memref<48xi32, #tpu.memory_space<vmem>> -> memref<32xi32, #tpu.memory_space<vmem>>
      %dma_start3A_20 = tpu.memref_slice %arg3[%mul3A_2] : memref<1024xi32, #tpu.memory_space<hbm>> -> memref<32xi32, #tpu.memory_space<hbm>>
      tpu.enqueue_dma source(%dma_start3A_20 : memref<32xi32, #tpu.memory_space<hbm>>) target(%dma_start3A_19 : memref<32xi32, #tpu.memory_space<vmem>>) target_semaphore(%run_scoped3A : memref<!tpu.dma_semaphore, #tpu.memory_space<semaphore_mem>>)
      %dma_wait3A = arith.constant 0 : i32
      %dma_wait3A_21 = tpu.memref_slice %arg5[%dma_wait3A] : memref<48xi32, #tpu.memory_space<vmem>> -> memref<32xi32, #tpu.memory_space<vmem>>
      %dma_wait3A_22 = tpu.memref_slice %arg3[%mul3A_2] : memref<1024xi32, #tpu.memory_space<hbm>> -> memref<32xi32, #tpu.memory_space<hbm>>
      %dma_wait3A_23 = arith.constant 0 : i32
      %dma_wait3A_24 = tpu.memref_slice %arg5[%dma_wait3A_23] : memref<48xi32, #tpu.memory_space<vmem>> -> memref<32xi32, #tpu.memory_space<vmem>>
      %dma_wait3A_25 = tpu.memref_slice %arg3[%mul3A_2] : memref<1024xi32, #tpu.memory_space<hbm>> -> memref<32xi32, #tpu.memory_space<hbm>>
      tpu.wait_dma2 semaphore(%run_scoped3A : memref<!tpu.dma_semaphore, #tpu.memory_space<semaphore_mem>>) src(%dma_wait3A_25 : memref<32xi32, #tpu.memory_space<hbm>>) dst(%dma_wait3A_24 : memref<32xi32, #tpu.memory_space<vmem>>)
      tpu.yield
    }) : () -> ()
    "tpu.region"() ({
      %run_scoped3A = tpu.sem_alloc : memref<!tpu.dma_semaphore, #tpu.memory_space<semaphore_mem>>
      %dma_start3A = arith.constant 0 : i32
      %dma_start3A_16 = tpu.memref_slice %arg2[%mul3A_2, %dma_start3A] : memref<1024x1024xf32, #tpu.memory_space<hbm>> -> memref<32x1024xf32, #tpu.memory_space<hbm>>
      %dma_start3A_17 = arith.constant 0 : i32
      %dma_start3A_18 = tpu.memref_slice %arg2[%mul3A_2, %dma_start3A_17] : memref<1024x1024xf32, #tpu.memory_space<hbm>> -> memref<32x1024xf32, #tpu.memory_space<hbm>>
      tpu.enqueue_dma source(%dma_start3A_18 : memref<32x1024xf32, #tpu.memory_space<hbm>>) target(%arg6 : memref<32x1024xf32, #tpu.memory_space<vmem>>) target_semaphore(%run_scoped3A : memref<!tpu.dma_semaphore, #tpu.memory_space<semaphore_mem>>)
      %dma_wait3A = arith.constant 0 : i32
      %dma_wait3A_19 = tpu.memref_slice %arg2[%mul3A_2, %dma_wait3A] : memref<1024x1024xf32, #tpu.memory_space<hbm>> -> memref<32x1024xf32, #tpu.memory_space<hbm>>
      %dma_wait3A_20 = arith.constant 0 : i32
      %dma_wait3A_21 = tpu.memref_slice %arg2[%mul3A_2, %dma_wait3A_20] : memref<1024x1024xf32, #tpu.memory_space<hbm>> -> memref<32x1024xf32, #tpu.memory_space<hbm>>
      tpu.wait_dma2 semaphore(%run_scoped3A : memref<!tpu.dma_semaphore, #tpu.memory_space<semaphore_mem>>) src(%dma_wait3A_21 : memref<32x1024xf32, #tpu.memory_space<hbm>>) dst(%arg6 : memref<32x1024xf32, #tpu.memory_space<vmem>>)
      tpu.yield
    }) : () -> ()
    %scan3A_9 = arith.constant 0 : i32
    %scan3A_10 = arith.constant 0 : i32
    %scan3A_11 = arith.constant 32 : i32
    %scan3A_12 = arith.addi %scan3A_10, %scan3A_11 : i32
    %scan3A_13 = arith.constant 1 : i32
    %scan3A_14 = scf.for %scan3A_16 = %scan3A_10 to %scan3A_12 step %scan3A_13 iter_args(%scan3A_17 = %scan3A_9) -> (i32)  : i32 {
      %get3A = arith.index_cast %scan3A_16 : i32 to index
      %get3A_18 = tpu.vector_load %arg5[%get3A] {strides = array<i32>} : memref<48xi32, #tpu.memory_space<vmem>>, vector<16xi32>,
      %slice3A = vector.extract_strided_slice %get3A_18 {offsets = [0], sizes = [1], strides = [1]} : vector<16xi32> to vector<1xi32>
      %squeeze3A = vector.extract %slice3A[0] : i32 from vector<1xi32>
      %scan3A_19 = arith.constant 0 : i32
      %scan3A_20 = arith.constant 0 : i32
      %scan3A_21 = arith.constant 64 : i32
      %scan3A_22 = arith.addi %scan3A_20, %scan3A_21 : i32
      %scan3A_23 = arith.constant 1 : i32
      %scan3A_24 = scf.for %scan3A_27 = %scan3A_20 to %scan3A_22 step %scan3A_23 iter_args(%scan3A_28 = %scan3A_19) -> (i32)  : i32 {
        %mul3A_29 = arith.constant 16 : i32
        %mul3A_30 = arith.muli %scan3A_27, %mul3A_29 : i32
        %get3A_31 = arith.index_cast %scan3A_16 : i32 to index
        %get3A_32 = arith.index_cast %mul3A_30 : i32 to index
        %get3A_33 = tpu.vector_load %arg6[%get3A_31, %get3A_32] {strides = array<i32>} : memref<32x1024xf32, #tpu.memory_space<vmem>>, vector<16xf32>,
        %mul3A_34 = arith.constant 16 : i32
        %mul3A_35 = arith.muli %scan3A_27, %mul3A_34 : i32
        %swap3A = arith.index_cast %squeeze3A : i32 to index
        %swap3A_36 = arith.index_cast %mul3A_35 : i32 to index
        %swap3A_37 = tpu.vector_load %arg7[%swap3A, %swap3A_36] {strides = array<i32>} : memref<21x1024xf32, #tpu.memory_space<vmem>>, vector<16xf32>,
        tpu.vector_store %arg7[%swap3A, %swap3A_36], %get3A_33 {add = true, strides = array<i32>} : memref<21x1024xf32, #tpu.memory_space<vmem>>, vector<16xf32>,
        %scan3A_38 = arith.constant 0 : i32
        scf.yield %scan3A_38 : i32
      }
      %scan3A_25 = arith.constant 64 : i32
      %scan3A_26 = arith.constant 0 : i32
      scf.yield %scan3A_26 : i32
    }
    %scan3A_15 = arith.constant 32 : i32
    "tpu.region"() ({
      %run_scoped3A = tpu.sem_alloc : memref<!tpu.dma_semaphore, #tpu.memory_space<semaphore_mem>>
      %dma_start3A = arith.constant 0 : i32
      %dma_start3A_16 = arith.constant 0 : i32
      %dma_start3A_17 = tpu.memref_slice %arg4[%add3A, %dma_start3A, %dma_start3A_16] : memref<32x21x1024xf32, #tpu.memory_space<hbm>> -> memref<1x21x1024xf32, #tpu.memory_space<hbm>>
      %dma_start3A_18 = tpu.memref_squeeze %dma_start3A_17 : memref<1x21x1024xf32, #tpu.memory_space<hbm>> -> memref<21x1024xf32, #tpu.memory_space<hbm>>
      %dma_start3A_19 = arith.constant 0 : i32
      %dma_start3A_20 = arith.constant 0 : i32
      %dma_start3A_21 = tpu.memref_slice %arg4[%add3A, %dma_start3A_19, %dma_start3A_20] : memref<32x21x1024xf32, #tpu.memory_space<hbm>> -> memref<1x21x1024xf32, #tpu.memory_space<hbm>>
      %dma_start3A_22 = tpu.memref_squeeze %dma_start3A_21 : memref<1x21x1024xf32, #tpu.memory_space<hbm>> -> memref<21x1024xf32, #tpu.memory_space<hbm>>
      tpu.enqueue_dma source(%arg7 : memref<21x1024xf32, #tpu.memory_space<vmem>>) target(%dma_start3A_22 : memref<21x1024xf32, #tpu.memory_space<hbm>>) target_semaphore(%run_scoped3A : memref<!tpu.dma_semaphore, #tpu.memory_space<semaphore_mem>>)
      %dma_wait3A = arith.constant 0 : i32
      %dma_wait3A_23 = arith.constant 0 : i32
      %dma_wait3A_24 = tpu.memref_slice %arg4[%add3A, %dma_wait3A, %dma_wait3A_23] : memref<32x21x1024xf32, #tpu.memory_space<hbm>> -> memref<1x21x1024xf32, #tpu.memory_space<hbm>>
      %dma_wait3A_25 = tpu.memref_squeeze %dma_wait3A_24 : memref<1x21x1024xf32, #tpu.memory_space<hbm>> -> memref<21x1024xf32, #tpu.memory_space<hbm>>
      %dma_wait3A_26 = arith.constant 0 : i32
      %dma_wait3A_27 = arith.constant 0 : i32
      %dma_wait3A_28 = tpu.memref_slice %arg4[%add3A, %dma_wait3A_26, %dma_wait3A_27] : memref<32x21x1024xf32, #tpu.memory_space<hbm>> -> memref<1x21x1024xf32, #tpu.memory_space<hbm>>
      %dma_wait3A_29 = tpu.memref_squeeze %dma_wait3A_28 : memref<1x21x1024xf32, #tpu.memory_space<hbm>> -> memref<21x1024xf32, #tpu.memory_space<hbm>>
      tpu.wait_dma2 semaphore(%run_scoped3A : memref<!tpu.dma_semaphore, #tpu.memory_space<semaphore_mem>>) src(%arg7 : memref<21x1024xf32, #tpu.memory_space<vmem>>) dst(%dma_wait3A_29 : memref<21x1024xf32, #tpu.memory_space<hbm>>)
      tpu.yield
    }) : () -> ()
    return
  }
}

module attributes {stable_mosaic.version = 14 : i64} {
  func.func @_pool_body(%arg0: i32, %arg1: memref<49x64x1024xf32, #tpu.memory_space<vmem>>, %arg2: memref<1024x21xf32, #tpu.memory_space<vmem>>, %arg3: memref<64x1024xf32, #tpu.memory_space<vmem>>, %arg4: memref<8x128xi32, #tpu.memory_space<vmem>>, %arg5: memref<1024x1xf32, #tpu.memory_space<vmem>>, %arg6: memref<21x1xf32, #tpu.memory_space<vmem>>) attributes {dimension_semantics = [#tpu.dimension_semantics<arbitrary>], iteration_bounds = array<i64: 16>, scalar_prefetch = 0 : i64, scratch_operands = 0 : i64, tpu.core_type = #tpu.core_type<tc>, window_params = [{transform_indices = @transform_0, window_bounds = array<i64: 49, 64, 1024>}, {pipeline_mode = #tpu.pipeline_mode<synchronous>, transform_indices = @transform_1, window_bounds = array<i64: 1024, 21>}, {transform_indices = @transform_2, window_bounds = array<i64: 64, 1024>}, {pipeline_mode = #tpu.pipeline_mode<synchronous>, transform_indices = @transform_3, window_bounds = array<i64: 8, 128>}, {pipeline_mode = #tpu.pipeline_mode<synchronous>, transform_indices = @transform_4, window_bounds = array<i64: 1024, 1>}, {pipeline_mode = #tpu.pipeline_mode<synchronous>, transform_indices = @transform_5, window_bounds = array<i64: 21, 1>}]} {
    %eq3A = arith.constant 0 : i32
    %eq3A_0 = arith.cmpi eq, %arg0, %eq3A : i32
    %convert_element_type3A = arith.extui %eq3A_0 : i1 to i32
    %cond3A = arith.constant 0 : i32
    %cond3A_1 = arith.cmpi ne, %convert_element_type3A, %cond3A : i32
    scf.if %cond3A_1 {
      %get3A_10 = arith.constant 0 : index
      %get3A_11 = arith.constant 0 : index
      %get3A_12 = vector.load %arg2[%get3A_10, %get3A_11] : memref<1024x21xf32, #tpu.memory_space<vmem>>, vector<1024x21xf32>
      %reduce_max3A = arith.constant dense<0xFF800000> : vector<1024xf32>
      %reduce_max3A_13 = vector.multi_reduction <maximumf>, %get3A_12, %reduce_max3A [1] : vector<1024x21xf32> to vector<1024xf32>
      %broadcast_in_dim3A = vector.shape_cast %reduce_max3A_13 : vector<1024xf32> to vector<1024x1xf32>
      %sub3A = vector.broadcast %broadcast_in_dim3A : vector<1024x1xf32> to vector<1024x21xf32>
      %sub3A_14 = arith.subf %get3A_12, %sub3A : vector<1024x21xf32>
      %exp3A = math.exp %sub3A_14 : vector<1024x21xf32>
      %reduce_sum3A_15 = arith.constant dense<0.000000e+00> : vector<1024xf32>
      %reduce_sum3A_16 = vector.multi_reduction <add>, %exp3A, %reduce_sum3A_15 [1] : vector<1024x21xf32> to vector<1024xf32>
      %broadcast_in_dim3A_17 = vector.shape_cast %reduce_sum3A_16 : vector<1024xf32> to vector<1024x1xf32>
      %div3A_18 = arith.constant 1.000000e+00 : f32
      %div3A_19 = vector.broadcast %div3A_18 : f32 to vector<1024x1xf32>
      %div3A_20 = arith.divf %div3A_19, %broadcast_in_dim3A_17 : vector<1024x1xf32>
      %swap3A_21 = arith.constant 0 : index
      %swap3A_22 = arith.constant 0 : index
      %swap3A_23 = vector.load %arg5[%swap3A_21, %swap3A_22] : memref<1024x1xf32, #tpu.memory_space<vmem>>, vector<1024x1xf32>
      tpu.vector_store %arg5[%swap3A_21, %swap3A_22], %div3A_20 {strides = array<i32>} : memref<1024x1xf32, #tpu.memory_space<vmem>>, vector<1024x1xf32>,
      %iota3A = tpu.iota {dimensions = array<i32: 1>} : vector<1024x21xi32>
      %eq3A_24 = vector.broadcast %broadcast_in_dim3A : vector<1024x1xf32> to vector<1024x21xf32>
      %eq3A_25 = arith.cmpf oeq, %get3A_12, %eq3A_24 : vector<1024x21xf32>
      %jit3A = arith.constant 21 : i32
      %broadcast_in_dim3A_26 = vector.broadcast %jit3A : i32 to vector<1024x21xi32>
      %select_n3A = arith.select %eq3A_25, %iota3A, %broadcast_in_dim3A_26 : vector<1024x21xi1>, vector<1024x21xi32>
      %reduce_min3A = arith.constant dense<2147483647> : vector<1024xi32>
      %reduce_min3A_27 = vector.multi_reduction <minsi>, %select_n3A, %reduce_min3A [1] : vector<1024x21xi32> to vector<1024xi32>
      %broadcast_in_dim3A_28 = vector.shape_cast %reduce_min3A_27 : vector<1024xi32> to vector<1024x1xi32>
      %reshape3A = vector.shape_cast %broadcast_in_dim3A_28 : vector<1024x1xi32> to vector<8x128xi32>
      %swap3A_29 = arith.constant 0 : index
      %swap3A_30 = arith.constant 0 : index
      %swap3A_31 = vector.load %arg4[%swap3A_29, %swap3A_30] : memref<8x128xi32, #tpu.memory_space<vmem>>, vector<8x128xi32>
      tpu.vector_store %arg4[%swap3A_29, %swap3A_30], %reshape3A {strides = array<i32>} : memref<8x128xi32, #tpu.memory_space<vmem>>, vector<8x128xi32>,
      %eq3A_32 = vector.broadcast %broadcast_in_dim3A_28 : vector<1024x1xi32> to vector<1024x21xi32>
      %eq3A_33 = arith.cmpi eq, %iota3A, %eq3A_32 : vector<1024x21xi32>
      %convert_element_type3A_34 = arith.extui %eq3A_33 : vector<1024x21xi1> to vector<1024x21xi32>
      %convert_element_type3A_35 = arith.sitofp %convert_element_type3A_34 : vector<1024x21xi32> to vector<1024x21xf32>
      %broadcast_in_dim3A_36 = arith.constant 1.000000e+00 : f32
      %broadcast_in_dim3A_37 = vector.broadcast %broadcast_in_dim3A_36 : f32 to vector<1024x1xf32>
      %dot_general3A = arith.constant dense<0.000000e+00> : vector<21x1xf32>
      %dot_general3A_38 = tpu.matmul %convert_element_type3A_35, %broadcast_in_dim3A_37, %dot_general3A {dimension_numbers = #tpu.dot_dimension_numbers<[0], [0], [1], [1], [0, 1, 1, 1], [], []>, transpose_lhs_hint = false} : vector<1024x21xf32>, vector<1024x1xf32>, vector<21x1xf32> -> vector<21x1xf32>
      %swap3A_39 = arith.constant 0 : index
      %swap3A_40 = arith.constant 0 : index
      %swap3A_41 = vector.load %arg6[%swap3A_39, %swap3A_40] : memref<21x1xf32, #tpu.memory_space<vmem>>, vector<21x1xf32>
      tpu.vector_store %arg6[%swap3A_39, %swap3A_40], %dot_general3A_38 {strides = array<i32>} : memref<21x1xf32, #tpu.memory_space<vmem>>, vector<21x1xf32>,
    } else {
    }
    %get3A = arith.constant 0 : index
    %get3A_2 = arith.constant 0 : index
    %get3A_3 = arith.constant 0 : index
    %get3A_4 = vector.load %arg1[%get3A, %get3A_2, %get3A_3] : memref<49x64x1024xf32, #tpu.memory_space<vmem>>, vector<49x64x1024xf32>
    %reduce_sum3A = arith.constant dense<0.000000e+00> : vector<64x1024xf32>
    %reduce_sum3A_5 = vector.multi_reduction <add>, %get3A_4, %reduce_sum3A [0] : vector<49x64x1024xf32> to vector<64x1024xf32>
    %div3A = arith.constant 4.900000e+01 : f32
    %div3A_6 = vector.broadcast %div3A : f32 to vector<64x1024xf32>
    %div3A_7 = arith.divf %reduce_sum3A_5, %div3A_6 : vector<64x1024xf32>
    %swap3A = arith.constant 0 : index
    %swap3A_8 = arith.constant 0 : index
    %swap3A_9 = vector.load %arg3[%swap3A, %swap3A_8] : memref<64x1024xf32, #tpu.memory_space<vmem>>, vector<64x1024xf32>
    tpu.vector_store %arg3[%swap3A, %swap3A_8], %div3A_7 {strides = array<i32>} : memref<64x1024xf32, #tpu.memory_space<vmem>>, vector<64x1024xf32>,
    return
  }
  func.func @transform_0(%arg0: i32) -> (i32, i32, i32) {
    %c0_i32 = arith.constant 0 : i32
    %c0_i32_0 = arith.constant 0 : i32
    %c0_i32_1 = arith.constant 0 : i32
    return %c0_i32, %arg0, %c0_i32_0 : i32, i32, i32
  }
  func.func @transform_1(%arg0: i32) -> (i32, i32) {
    %c0_i32 = arith.constant 0 : i32
    %c0_i32_0 = arith.constant 0 : i32
    %c0_i32_1 = arith.constant 0 : i32
    return %c0_i32, %c0_i32_0 : i32, i32
  }
  func.func @transform_2(%arg0: i32) -> (i32, i32) {
    %c0_i32 = arith.constant 0 : i32
    %c0_i32_0 = arith.constant 0 : i32
    return %arg0, %c0_i32 : i32, i32
  }
  func.func @transform_3(%arg0: i32) -> (i32, i32) {
    %c0_i32 = arith.constant 0 : i32
    %c0_i32_0 = arith.constant 0 : i32
    %c0_i32_1 = arith.constant 0 : i32
    return %c0_i32, %c0_i32_0 : i32, i32
  }
  func.func @transform_4(%arg0: i32) -> (i32, i32) {
    %c0_i32 = arith.constant 0 : i32
    %c0_i32_0 = arith.constant 0 : i32
    %c0_i32_1 = arith.constant 0 : i32
    return %c0_i32, %c0_i32_0 : i32, i32
  }
  func.func @transform_5(%arg0: i32) -> (i32, i32) {
    %c0_i32 = arith.constant 0 : i32
    %c0_i32_0 = arith.constant 0 : i32
    %c0_i32_1 = arith.constant 0 : i32
    return %c0_i32, %c0_i32_0 : i32, i32
  }
}

module attributes {stable_mosaic.version = 14 : i64} {
  func.func @_finish_body(%arg0: i32, %arg1: memref<1024x1024xf32, #tpu.memory_space<vmem>>, %arg2: memref<32x21x1024xf32, #tpu.memory_space<vmem>>, %arg3: memref<21x1xf32, #tpu.memory_space<vmem>>, %arg4: memref<21x1024xf32, #tpu.memory_space<vmem>>, %arg5: memref<21x1024xf32, #tpu.memory_space<vmem>>, %arg6: memref<1024x21xf32, #tpu.memory_space<vmem>>) attributes {dimension_semantics = [#tpu.dimension_semantics<arbitrary>], iteration_bounds = array<i64: 1>, scalar_prefetch = 0 : i64, scratch_operands = 0 : i64, tpu.core_type = #tpu.core_type<tc>, window_params = [{pipeline_mode = #tpu.pipeline_mode<synchronous>, transform_indices = @transform_0, window_bounds = array<i64: 1024, 1024>}, {pipeline_mode = #tpu.pipeline_mode<synchronous>, transform_indices = @transform_1, window_bounds = array<i64: 32, 21, 1024>}, {pipeline_mode = #tpu.pipeline_mode<synchronous>, transform_indices = @transform_2, window_bounds = array<i64: 21, 1>}, {pipeline_mode = #tpu.pipeline_mode<synchronous>, transform_indices = @transform_3, window_bounds = array<i64: 21, 1024>}, {pipeline_mode = #tpu.pipeline_mode<synchronous>, transform_indices = @transform_4, window_bounds = array<i64: 21, 1024>}, {pipeline_mode = #tpu.pipeline_mode<synchronous>, transform_indices = @transform_5, window_bounds = array<i64: 1024, 21>}]} {
    %get3A = arith.constant 0 : index
    %get3A_0 = arith.constant 0 : index
    %get3A_1 = vector.load %arg3[%get3A, %get3A_0] : memref<21x1xf32, #tpu.memory_space<vmem>>, vector<21x1xf32>
    %gt3A = arith.constant 0.000000e+00 : f32
    %gt3A_2 = vector.broadcast %gt3A : f32 to vector<21x1xf32>
    %gt3A_3 = arith.cmpf ogt, %get3A_1, %gt3A_2 : vector<21x1xf32>
    %get3A_4 = arith.constant 0 : index
    %get3A_5 = arith.constant 0 : index
    %get3A_6 = arith.constant 0 : index
    %get3A_7 = vector.load %arg2[%get3A_4, %get3A_5, %get3A_6] : memref<32x21x1024xf32, #tpu.memory_space<vmem>>, vector<32x21x1024xf32>
    %reduce_sum3A = arith.constant dense<0.000000e+00> : vector<21x1024xf32>
    %reduce_sum3A_8 = vector.multi_reduction <add>, %get3A_7, %reduce_sum3A [0] : vector<32x21x1024xf32> to vector<21x1024xf32>
    %max3A = arith.constant 1.000000e+00 : f32
    %max3A_9 = vector.broadcast %max3A : f32 to vector<21x1xf32>
    %max3A_10 = arith.maximumf %get3A_1, %max3A_9 : vector<21x1xf32>
    %div3A = vector.broadcast %max3A_10 : vector<21x1xf32> to vector<21x1024xf32>
    %div3A_11 = arith.divf %reduce_sum3A_8, %div3A : vector<21x1024xf32>
    %broadcast_in_dim3A = vector.shape_cast %gt3A_3 : vector<21x1xi1> to vector<21x1xi1>
    %broadcast_in_dim3A_12 = vector.broadcast %broadcast_in_dim3A : vector<21x1xi1> to vector<21x1024xi1>
    %select_n3A = arith.select %broadcast_in_dim3A_12, %div3A_11, %reduce_sum3A_8 : vector<21x1024xi1>, vector<21x1024xf32>
    %get3A_13 = arith.constant 0 : index
    %get3A_14 = arith.constant 0 : index
    %get3A_15 = vector.load %arg4[%get3A_13, %get3A_14] : memref<21x1024xf32, #tpu.memory_space<vmem>>, vector<21x1024xf32>
    %mul3A = arith.mulf %get3A_15, %select_n3A : vector<21x1024xf32>
    %reduce_sum3A_16 = arith.constant dense<0.000000e+00> : vector<21xf32>
    %reduce_sum3A_17 = vector.multi_reduction <add>, %mul3A, %reduce_sum3A_16 [1] : vector<21x1024xf32> to vector<21xf32>
    %broadcast_in_dim3A_18 = vector.shape_cast %reduce_sum3A_17 : vector<21xf32> to vector<21x1xf32>
    %mul3A_19 = arith.mulf %get3A_15, %get3A_15 : vector<21x1024xf32>
    %reduce_sum3A_20 = arith.constant dense<0.000000e+00> : vector<21xf32>
    %reduce_sum3A_21 = vector.multi_reduction <add>, %mul3A_19, %reduce_sum3A_20 [1] : vector<21x1024xf32> to vector<21xf32>
    %broadcast_in_dim3A_22 = vector.shape_cast %reduce_sum3A_21 : vector<21xf32> to vector<21x1xf32>
    %sqrt3A = math.sqrt %broadcast_in_dim3A_22 : vector<21x1xf32>
    %mul3A_23 = arith.mulf %select_n3A, %select_n3A : vector<21x1024xf32>
    %reduce_sum3A_24 = arith.constant dense<0.000000e+00> : vector<21xf32>
    %reduce_sum3A_25 = vector.multi_reduction <add>, %mul3A_23, %reduce_sum3A_24 [1] : vector<21x1024xf32> to vector<21xf32>
    %broadcast_in_dim3A_26 = vector.shape_cast %reduce_sum3A_25 : vector<21xf32> to vector<21x1xf32>
    %sqrt3A_27 = math.sqrt %broadcast_in_dim3A_26 : vector<21x1xf32>
    %mul3A_28 = arith.mulf %sqrt3A, %sqrt3A_27 : vector<21x1xf32>
    %max3A_29 = arith.constant 9.99999993E-9 : f32
    %max3A_30 = vector.broadcast %max3A_29 : f32 to vector<21x1xf32>
    %max3A_31 = arith.maximumf %mul3A_28, %max3A_30 : vector<21x1xf32>
    %div3A_32 = arith.divf %broadcast_in_dim3A_18, %max3A_31 : vector<21x1xf32>
    %mul3A_33 = vector.broadcast %div3A_32 : vector<21x1xf32> to vector<21x1024xf32>
    %mul3A_34 = arith.mulf %get3A_15, %mul3A_33 : vector<21x1024xf32>
    %sub3A = arith.constant 1.000000e+00 : f32
    %sub3A_35 = vector.broadcast %sub3A : f32 to vector<21x1xf32>
    %sub3A_36 = arith.subf %sub3A_35, %div3A_32 : vector<21x1xf32>
    %mul3A_37 = vector.broadcast %sub3A_36 : vector<21x1xf32> to vector<21x1024xf32>
    %mul3A_38 = arith.mulf %select_n3A, %mul3A_37 : vector<21x1024xf32>
    %add3A = arith.addf %mul3A_34, %mul3A_38 : vector<21x1024xf32>
    %broadcast_in_dim3A_39 = vector.shape_cast %gt3A_3 : vector<21x1xi1> to vector<21x1xi1>
    %broadcast_in_dim3A_40 = vector.broadcast %broadcast_in_dim3A_39 : vector<21x1xi1> to vector<21x1024xi1>
    %select_n3A_41 = arith.select %broadcast_in_dim3A_40, %add3A, %get3A_15 : vector<21x1024xi1>, vector<21x1024xf32>
    %swap3A = arith.constant 0 : index
    %swap3A_42 = arith.constant 0 : index
    %swap3A_43 = vector.load %arg5[%swap3A, %swap3A_42] : memref<21x1024xf32, #tpu.memory_space<vmem>>, vector<21x1024xf32>
    tpu.vector_store %arg5[%swap3A, %swap3A_42], %select_n3A_41 {strides = array<i32>} : memref<21x1024xf32, #tpu.memory_space<vmem>>, vector<21x1024xf32>,
    %mul3A_44 = arith.mulf %select_n3A_41, %select_n3A_41 : vector<21x1024xf32>
    %reduce_sum3A_45 = arith.constant dense<0.000000e+00> : vector<21xf32>
    %reduce_sum3A_46 = vector.multi_reduction <add>, %mul3A_44, %reduce_sum3A_45 [1] : vector<21x1024xf32> to vector<21xf32>
    %broadcast_in_dim3A_47 = vector.shape_cast %reduce_sum3A_46 : vector<21xf32> to vector<21x1xf32>
    %sqrt3A_48 = math.sqrt %broadcast_in_dim3A_47 : vector<21x1xf32>
    %max3A_49 = arith.constant 9.99999993E-9 : f32
    %max3A_50 = vector.broadcast %max3A_49 : f32 to vector<21x1xf32>
    %max3A_51 = arith.maximumf %sqrt3A_48, %max3A_50 : vector<21x1xf32>
    %div3A_52 = vector.broadcast %max3A_51 : vector<21x1xf32> to vector<21x1024xf32>
    %div3A_53 = arith.divf %select_n3A_41, %div3A_52 : vector<21x1024xf32>
    %get3A_54 = arith.constant 0 : index
    %get3A_55 = arith.constant 0 : index
    %get3A_56 = vector.load %arg1[%get3A_54, %get3A_55] : memref<1024x1024xf32, #tpu.memory_space<vmem>>, vector<128x1024xf32>
    %mul3A_57 = arith.mulf %get3A_56, %get3A_56 : vector<128x1024xf32>
    %reduce_sum3A_58 = arith.constant dense<0.000000e+00> : vector<128xf32>
    %reduce_sum3A_59 = vector.multi_reduction <add>, %mul3A_57, %reduce_sum3A_58 [1] : vector<128x1024xf32> to vector<128xf32>
    %broadcast_in_dim3A_60 = vector.shape_cast %reduce_sum3A_59 : vector<128xf32> to vector<128x1xf32>
    %sqrt3A_61 = math.sqrt %broadcast_in_dim3A_60 : vector<128x1xf32>
    %max3A_62 = arith.constant 9.99999993E-9 : f32
    %max3A_63 = vector.broadcast %max3A_62 : f32 to vector<128x1xf32>
    %max3A_64 = arith.maximumf %sqrt3A_61, %max3A_63 : vector<128x1xf32>
    %div3A_65 = vector.broadcast %max3A_64 : vector<128x1xf32> to vector<128x1024xf32>
    %div3A_66 = arith.divf %get3A_56, %div3A_65 : vector<128x1024xf32>
    %dot_general3A = arith.constant dense<0.000000e+00> : vector<128x21xf32>
    %dot_general3A_67 = tpu.matmul %div3A_66, %div3A_53, %dot_general3A {dimension_numbers = #tpu.dot_dimension_numbers<[1], [1], [0], [0], [0, 0, 1, 0], [], []>, transpose_lhs_hint = false} : vector<128x1024xf32>, vector<21x1024xf32>, vector<128x21xf32> -> vector<128x21xf32>
    %swap3A_68 = arith.constant 0 : index
    %swap3A_69 = arith.constant 0 : index
    %swap3A_70 = vector.load %arg6[%swap3A_68, %swap3A_69] : memref<1024x21xf32, #tpu.memory_space<vmem>>, vector<128x21xf32>
    tpu.vector_store %arg6[%swap3A_68, %swap3A_69], %dot_general3A_67 {strides = array<i32>} : memref<1024x21xf32, #tpu.memory_space<vmem>>, vector<128x21xf32>,
    %get3A_71 = arith.constant 128 : index
    %get3A_72 = arith.constant 0 : index
    %get3A_73 = vector.load %arg1[%get3A_71, %get3A_72] : memref<1024x1024xf32, #tpu.memory_space<vmem>>, vector<128x1024xf32>
    %mul3A_74 = arith.mulf %get3A_73, %get3A_73 : vector<128x1024xf32>
    %reduce_sum3A_75 = arith.constant dense<0.000000e+00> : vector<128xf32>
    %reduce_sum3A_76 = vector.multi_reduction <add>, %mul3A_74, %reduce_sum3A_75 [1] : vector<128x1024xf32> to vector<128xf32>
    %broadcast_in_dim3A_77 = vector.shape_cast %reduce_sum3A_76 : vector<128xf32> to vector<128x1xf32>
    %sqrt3A_78 = math.sqrt %broadcast_in_dim3A_77 : vector<128x1xf32>
    %max3A_79 = arith.constant 9.99999993E-9 : f32
    %max3A_80 = vector.broadcast %max3A_79 : f32 to vector<128x1xf32>
    %max3A_81 = arith.maximumf %sqrt3A_78, %max3A_80 : vector<128x1xf32>
    %div3A_82 = vector.broadcast %max3A_81 : vector<128x1xf32> to vector<128x1024xf32>
    %div3A_83 = arith.divf %get3A_73, %div3A_82 : vector<128x1024xf32>
    %dot_general3A_84 = arith.constant dense<0.000000e+00> : vector<128x21xf32>
    %dot_general3A_85 = tpu.matmul %div3A_83, %div3A_53, %dot_general3A_84 {dimension_numbers = #tpu.dot_dimension_numbers<[1], [1], [0], [0], [0, 0, 1, 0], [], []>, transpose_lhs_hint = false} : vector<128x1024xf32>, vector<21x1024xf32>, vector<128x21xf32> -> vector<128x21xf32>
    %swap3A_86 = arith.constant 128 : index
    %swap3A_87 = arith.constant 0 : index
    %swap3A_88 = vector.load %arg6[%swap3A_86, %swap3A_87] : memref<1024x21xf32, #tpu.memory_space<vmem>>, vector<128x21xf32>
    tpu.vector_store %arg6[%swap3A_86, %swap3A_87], %dot_general3A_85 {strides = array<i32>} : memref<1024x21xf32, #tpu.memory_space<vmem>>, vector<128x21xf32>,
    %get3A_89 = arith.constant 256 : index
    %get3A_90 = arith.constant 0 : index
    %get3A_91 = vector.load %arg1[%get3A_89, %get3A_90] : memref<1024x1024xf32, #tpu.memory_space<vmem>>, vector<128x1024xf32>
    %mul3A_92 = arith.mulf %get3A_91, %get3A_91 : vector<128x1024xf32>
    %reduce_sum3A_93 = arith.constant dense<0.000000e+00> : vector<128xf32>
    %reduce_sum3A_94 = vector.multi_reduction <add>, %mul3A_92, %reduce_sum3A_93 [1] : vector<128x1024xf32> to vector<128xf32>
    %broadcast_in_dim3A_95 = vector.shape_cast %reduce_sum3A_94 : vector<128xf32> to vector<128x1xf32>
    %sqrt3A_96 = math.sqrt %broadcast_in_dim3A_95 : vector<128x1xf32>
    %max3A_97 = arith.constant 9.99999993E-9 : f32
    %max3A_98 = vector.broadcast %max3A_97 : f32 to vector<128x1xf32>
    %max3A_99 = arith.maximumf %sqrt3A_96, %max3A_98 : vector<128x1xf32>
    %div3A_100 = vector.broadcast %max3A_99 : vector<128x1xf32> to vector<128x1024xf32>
    %div3A_101 = arith.divf %get3A_91, %div3A_100 : vector<128x1024xf32>
    %dot_general3A_102 = arith.constant dense<0.000000e+00> : vector<128x21xf32>
    %dot_general3A_103 = tpu.matmul %div3A_101, %div3A_53, %dot_general3A_102 {dimension_numbers = #tpu.dot_dimension_numbers<[1], [1], [0], [0], [0, 0, 1, 0], [], []>, transpose_lhs_hint = false} : vector<128x1024xf32>, vector<21x1024xf32>, vector<128x21xf32> -> vector<128x21xf32>
    %swap3A_104 = arith.constant 256 : index
    %swap3A_105 = arith.constant 0 : index
    %swap3A_106 = vector.load %arg6[%swap3A_104, %swap3A_105] : memref<1024x21xf32, #tpu.memory_space<vmem>>, vector<128x21xf32>
    tpu.vector_store %arg6[%swap3A_104, %swap3A_105], %dot_general3A_103 {strides = array<i32>} : memref<1024x21xf32, #tpu.memory_space<vmem>>, vector<128x21xf32>,
    %get3A_107 = arith.constant 384 : index
    %get3A_108 = arith.constant 0 : index
    %get3A_109 = vector.load %arg1[%get3A_107, %get3A_108] : memref<1024x1024xf32, #tpu.memory_space<vmem>>, vector<128x1024xf32>
    %mul3A_110 = arith.mulf %get3A_109, %get3A_109 : vector<128x1024xf32>
    %reduce_sum3A_111 = arith.constant dense<0.000000e+00> : vector<128xf32>
    %reduce_sum3A_112 = vector.multi_reduction <add>, %mul3A_110, %reduce_sum3A_111 [1] : vector<128x1024xf32> to vector<128xf32>
    %broadcast_in_dim3A_113 = vector.shape_cast %reduce_sum3A_112 : vector<128xf32> to vector<128x1xf32>
    %sqrt3A_114 = math.sqrt %broadcast_in_dim3A_113 : vector<128x1xf32>
    %max3A_115 = arith.constant 9.99999993E-9 : f32
    %max3A_116 = vector.broadcast %max3A_115 : f32 to vector<128x1xf32>
    %max3A_117 = arith.maximumf %sqrt3A_114, %max3A_116 : vector<128x1xf32>
    %div3A_118 = vector.broadcast %max3A_117 : vector<128x1xf32> to vector<128x1024xf32>
    %div3A_119 = arith.divf %get3A_109, %div3A_118 : vector<128x1024xf32>
    %dot_general3A_120 = arith.constant dense<0.000000e+00> : vector<128x21xf32>
    %dot_general3A_121 = tpu.matmul %div3A_119, %div3A_53, %dot_general3A_120 {dimension_numbers = #tpu.dot_dimension_numbers<[1], [1], [0], [0], [0, 0, 1, 0], [], []>, transpose_lhs_hint = false} : vector<128x1024xf32>, vector<21x1024xf32>, vector<128x21xf32> -> vector<128x21xf32>
    %swap3A_122 = arith.constant 384 : index
    %swap3A_123 = arith.constant 0 : index
    %swap3A_124 = vector.load %arg6[%swap3A_122, %swap3A_123] : memref<1024x21xf32, #tpu.memory_space<vmem>>, vector<128x21xf32>
    tpu.vector_store %arg6[%swap3A_122, %swap3A_123], %dot_general3A_121 {strides = array<i32>} : memref<1024x21xf32, #tpu.memory_space<vmem>>, vector<128x21xf32>,
    %get3A_125 = arith.constant 512 : index
    %get3A_126 = arith.constant 0 : index
    %get3A_127 = vector.load %arg1[%get3A_125, %get3A_126] : memref<1024x1024xf32, #tpu.memory_space<vmem>>, vector<128x1024xf32>
    %mul3A_128 = arith.mulf %get3A_127, %get3A_127 : vector<128x1024xf32>
    %reduce_sum3A_129 = arith.constant dense<0.000000e+00> : vector<128xf32>
    %reduce_sum3A_130 = vector.multi_reduction <add>, %mul3A_128, %reduce_sum3A_129 [1] : vector<128x1024xf32> to vector<128xf32>
    %broadcast_in_dim3A_131 = vector.shape_cast %reduce_sum3A_130 : vector<128xf32> to vector<128x1xf32>
    %sqrt3A_132 = math.sqrt %broadcast_in_dim3A_131 : vector<128x1xf32>
    %max3A_133 = arith.constant 9.99999993E-9 : f32
    %max3A_134 = vector.broadcast %max3A_133 : f32 to vector<128x1xf32>
    %max3A_135 = arith.maximumf %sqrt3A_132, %max3A_134 : vector<128x1xf32>
    %div3A_136 = vector.broadcast %max3A_135 : vector<128x1xf32> to vector<128x1024xf32>
    %div3A_137 = arith.divf %get3A_127, %div3A_136 : vector<128x1024xf32>
    %dot_general3A_138 = arith.constant dense<0.000000e+00> : vector<128x21xf32>
    %dot_general3A_139 = tpu.matmul %div3A_137, %div3A_53, %dot_general3A_138 {dimension_numbers = #tpu.dot_dimension_numbers<[1], [1], [0], [0], [0, 0, 1, 0], [], []>, transpose_lhs_hint = false} : vector<128x1024xf32>, vector<21x1024xf32>, vector<128x21xf32> -> vector<128x21xf32>
    %swap3A_140 = arith.constant 512 : index
    %swap3A_141 = arith.constant 0 : index
    %swap3A_142 = vector.load %arg6[%swap3A_140, %swap3A_141] : memref<1024x21xf32, #tpu.memory_space<vmem>>, vector<128x21xf32>
    tpu.vector_store %arg6[%swap3A_140, %swap3A_141], %dot_general3A_139 {strides = array<i32>} : memref<1024x21xf32, #tpu.memory_space<vmem>>, vector<128x21xf32>,
    %get3A_143 = arith.constant 640 : index
    %get3A_144 = arith.constant 0 : index
    %get3A_145 = vector.load %arg1[%get3A_143, %get3A_144] : memref<1024x1024xf32, #tpu.memory_space<vmem>>, vector<128x1024xf32>
    %mul3A_146 = arith.mulf %get3A_145, %get3A_145 : vector<128x1024xf32>
    %reduce_sum3A_147 = arith.constant dense<0.000000e+00> : vector<128xf32>
    %reduce_sum3A_148 = vector.multi_reduction <add>, %mul3A_146, %reduce_sum3A_147 [1] : vector<128x1024xf32> to vector<128xf32>
    %broadcast_in_dim3A_149 = vector.shape_cast %reduce_sum3A_148 : vector<128xf32> to vector<128x1xf32>
    %sqrt3A_150 = math.sqrt %broadcast_in_dim3A_149 : vector<128x1xf32>
    %max3A_151 = arith.constant 9.99999993E-9 : f32
    %max3A_152 = vector.broadcast %max3A_151 : f32 to vector<128x1xf32>
    %max3A_153 = arith.maximumf %sqrt3A_150, %max3A_152 : vector<128x1xf32>
    %div3A_154 = vector.broadcast %max3A_153 : vector<128x1xf32> to vector<128x1024xf32>
    %div3A_155 = arith.divf %get3A_145, %div3A_154 : vector<128x1024xf32>
    %dot_general3A_156 = arith.constant dense<0.000000e+00> : vector<128x21xf32>
    %dot_general3A_157 = tpu.matmul %div3A_155, %div3A_53, %dot_general3A_156 {dimension_numbers = #tpu.dot_dimension_numbers<[1], [1], [0], [0], [0, 0, 1, 0], [], []>, transpose_lhs_hint = false} : vector<128x1024xf32>, vector<21x1024xf32>, vector<128x21xf32> -> vector<128x21xf32>
    %swap3A_158 = arith.constant 640 : index
    %swap3A_159 = arith.constant 0 : index
    %swap3A_160 = vector.load %arg6[%swap3A_158, %swap3A_159] : memref<1024x21xf32, #tpu.memory_space<vmem>>, vector<128x21xf32>
    tpu.vector_store %arg6[%swap3A_158, %swap3A_159], %dot_general3A_157 {strides = array<i32>} : memref<1024x21xf32, #tpu.memory_space<vmem>>, vector<128x21xf32>,
    %get3A_161 = arith.constant 768 : index
    %get3A_162 = arith.constant 0 : index
    %get3A_163 = vector.load %arg1[%get3A_161, %get3A_162] : memref<1024x1024xf32, #tpu.memory_space<vmem>>, vector<128x1024xf32>
    %mul3A_164 = arith.mulf %get3A_163, %get3A_163 : vector<128x1024xf32>
    %reduce_sum3A_165 = arith.constant dense<0.000000e+00> : vector<128xf32>
    %reduce_sum3A_166 = vector.multi_reduction <add>, %mul3A_164, %reduce_sum3A_165 [1] : vector<128x1024xf32> to vector<128xf32>
    %broadcast_in_dim3A_167 = vector.shape_cast %reduce_sum3A_166 : vector<128xf32> to vector<128x1xf32>
    %sqrt3A_168 = math.sqrt %broadcast_in_dim3A_167 : vector<128x1xf32>
    %max3A_169 = arith.constant 9.99999993E-9 : f32
    %max3A_170 = vector.broadcast %max3A_169 : f32 to vector<128x1xf32>
    %max3A_171 = arith.maximumf %sqrt3A_168, %max3A_170 : vector<128x1xf32>
    %div3A_172 = vector.broadcast %max3A_171 : vector<128x1xf32> to vector<128x1024xf32>
    %div3A_173 = arith.divf %get3A_163, %div3A_172 : vector<128x1024xf32>
    %dot_general3A_174 = arith.constant dense<0.000000e+00> : vector<128x21xf32>
    %dot_general3A_175 = tpu.matmul %div3A_173, %div3A_53, %dot_general3A_174 {dimension_numbers = #tpu.dot_dimension_numbers<[1], [1], [0], [0], [0, 0, 1, 0], [], []>, transpose_lhs_hint = false} : vector<128x1024xf32>, vector<21x1024xf32>, vector<128x21xf32> -> vector<128x21xf32>
    %swap3A_176 = arith.constant 768 : index
    %swap3A_177 = arith.constant 0 : index
    %swap3A_178 = vector.load %arg6[%swap3A_176, %swap3A_177] : memref<1024x21xf32, #tpu.memory_space<vmem>>, vector<128x21xf32>
    tpu.vector_store %arg6[%swap3A_176, %swap3A_177], %dot_general3A_175 {strides = array<i32>} : memref<1024x21xf32, #tpu.memory_space<vmem>>, vector<128x21xf32>,
    %get3A_179 = arith.constant 896 : index
    %get3A_180 = arith.constant 0 : index
    %get3A_181 = vector.load %arg1[%get3A_179, %get3A_180] : memref<1024x1024xf32, #tpu.memory_space<vmem>>, vector<128x1024xf32>
    %mul3A_182 = arith.mulf %get3A_181, %get3A_181 : vector<128x1024xf32>
    %reduce_sum3A_183 = arith.constant dense<0.000000e+00> : vector<128xf32>
    %reduce_sum3A_184 = vector.multi_reduction <add>, %mul3A_182, %reduce_sum3A_183 [1] : vector<128x1024xf32> to vector<128xf32>
    %broadcast_in_dim3A_185 = vector.shape_cast %reduce_sum3A_184 : vector<128xf32> to vector<128x1xf32>
    %sqrt3A_186 = math.sqrt %broadcast_in_dim3A_185 : vector<128x1xf32>
    %max3A_187 = arith.constant 9.99999993E-9 : f32
    %max3A_188 = vector.broadcast %max3A_187 : f32 to vector<128x1xf32>
    %max3A_189 = arith.maximumf %sqrt3A_186, %max3A_188 : vector<128x1xf32>
    %div3A_190 = vector.broadcast %max3A_189 : vector<128x1xf32> to vector<128x1024xf32>
    %div3A_191 = arith.divf %get3A_181, %div3A_190 : vector<128x1024xf32>
    %dot_general3A_192 = arith.constant dense<0.000000e+00> : vector<128x21xf32>
    %dot_general3A_193 = tpu.matmul %div3A_191, %div3A_53, %dot_general3A_192 {dimension_numbers = #tpu.dot_dimension_numbers<[1], [1], [0], [0], [0, 0, 1, 0], [], []>, transpose_lhs_hint = false} : vector<128x1024xf32>, vector<21x1024xf32>, vector<128x21xf32> -> vector<128x21xf32>
    %swap3A_194 = arith.constant 896 : index
    %swap3A_195 = arith.constant 0 : index
    %swap3A_196 = vector.load %arg6[%swap3A_194, %swap3A_195] : memref<1024x21xf32, #tpu.memory_space<vmem>>, vector<128x21xf32>
    tpu.vector_store %arg6[%swap3A_194, %swap3A_195], %dot_general3A_193 {strides = array<i32>} : memref<1024x21xf32, #tpu.memory_space<vmem>>, vector<128x21xf32>,
    return
  }
  func.func @transform_0(%arg0: i32) -> (i32, i32) {
    %c0_i32 = arith.constant 0 : i32
    %c0_i32_0 = arith.constant 0 : i32
    %c0_i32_1 = arith.constant 0 : i32
    return %c0_i32, %c0_i32_0 : i32, i32
  }
  func.func @transform_1(%arg0: i32) -> (i32, i32, i32) {
    %c0_i32 = arith.constant 0 : i32
    %c0_i32_0 = arith.constant 0 : i32
    %c0_i32_1 = arith.constant 0 : i32
    %c0_i32_2 = arith.constant 0 : i32
    return %c0_i32, %c0_i32_0, %c0_i32_1 : i32, i32, i32
  }
  func.func @transform_2(%arg0: i32) -> (i32, i32) {
    %c0_i32 = arith.constant 0 : i32
    %c0_i32_0 = arith.constant 0 : i32
    %c0_i32_1 = arith.constant 0 : i32
    return %c0_i32, %c0_i32_0 : i32, i32
  }
  func.func @transform_3(%arg0: i32) -> (i32, i32) {
    %c0_i32 = arith.constant 0 : i32
    %c0_i32_0 = arith.constant 0 : i32
    %c0_i32_1 = arith.constant 0 : i32
    return %c0_i32, %c0_i32_0 : i32, i32
  }
  func.func @transform_4(%arg0: i32) -> (i32, i32) {
    %c0_i32 = arith.constant 0 : i32
    %c0_i32_0 = arith.constant 0 : i32
    %c0_i32_1 = arith.constant 0 : i32
    return %c0_i32, %c0_i32_0 : i32, i32
  }
  func.func @transform_5(%arg0: i32) -> (i32, i32) {
    %c0_i32 = arith.constant 0 : i32
    %c0_i32_0 = arith.constant 0 : i32
    %c0_i32_1 = arith.constant 0 : i32
    return %c0_i32, %c0_i32_0 : i32, i32
  }
}

</mosaic_0001>

<sc_bundles>
// kernel: kernel.5.cloned.1.call-start
scs
__scs_entry_jumppad:
0x0: {  	(pc) =	sbr.rel $0x88, $3  }
0x1: {  	(tag) =	ssettag $0x0;
	lr =	simm.s32 $0x1  }
0x2: {  	[smem:$0x3F9E] =	sst lr;
	_ =	strace $0xD0000000  }
0x3: {  	_ = 	snop  }
0x4: {  	_ = 	snop  }
0x5: {  	_ = 	snop  }
0x6: {  	_ = 	snop  }
0x7: {  	_ = 	snop  }
__scs_overlays_trampoline_lowered:
0x8: {  	[smem:$0x3FAD] =	sst s0  }
0x9: {  	[smem:$0x3FAE] =	sst s1  }
0xa: {  	[smem:$0x3FAF] =	sst s2  }
0xb: {  	[smem:$0x3FB0] =	sst s3  }
0xc: {  	[smem:$0x3FB1] =	sst s4  }
0xd: {  	[smem:$0x3FB2] =	sst s5  }
0xe: {  	[smem:$0x3FB3] =	sst s6  }
0xf: {  	[smem:$0x3FB4] =	sst s7  }
0x10: {  	[smem:$0x3FB5] =	sst s8  }
0x11: {  	[smem:$0x3FB6] =	sst s9;
	s0 =	simm.s32 @!p0 $0x0  }
0x12: {  	s1 =	sld [smem:$0x3F9C];
	s0 =	simm.s32 @p0 $0x1  }
0x13: {  	[smem:$0x3FB7] =	sst s0;
	s0 =	simm.s32 @!p1 $0x0  }
0x14: {  	s2 =	sld [smem:$0x3F9B];
	s0 =	simm.s32 @p1 $0x1  }
0x15: {  	[smem:$0x3FB8] =	sst s0;
	s0 =	simm.s32 @!p2 $0x0  }
0x16: {  	s3 =	sld [smem:$0x3FDB];
	s0 =	simm.s32 @p2 $0x1  }
0x17: {  	s4 =	simm.s32 $0x1BF5;
	[smem:$0x3FBA] =	sst s0  }
0x18: {  	s0 =	sld [smem:$0x3F9D];
	_ =	swait.ge [sflag:s4], $0x0  }
0x19: {  	s7 =	sld [smem:$0x3F9E]  }
0x1a: {  	s8 =	sadd.s32 $0xFFFFE003, lr  }
0x1b: {  	s9 =	sadd.s32 $0xFFFFFEF7, lr;
	s5 =	simm.s32 $0xFFFFFFFF;
	p2 =	slt.u32 s8, $0xFFFFF086  }
0x1c: {  	p1 =	slt.u32 s9, $0xF7A;
	s5 =	simm.s32 @!p2 $0x0  }
0x1d: {  	s5 =	simm.s32 @p1 $0x1;
	p0 =	seq.s32 s7, s2  }
0x1e: {  	s7 =	smul.u32 @!p0 $0xF7A, s2;
	p2 =	seq.s32 @!p0 s5, $0x0  }
0x1f: {  	s9 =	smul.u32 $0xF7A, s1;
	s8 =	simm.s32 @!p0 $0x1BF5;
	p2 =	por !p2, p0  }
0x20: {  	[sflag:s8] =	ssyncset.s32 @!p0 $0xFFFFF086;
	s6 =	sadd.s32 @!p0 s3, s7;
	s7 =	simm.s32 @!p0 $0x108  }
0x21: {  	s3 =	sadd.s32 s3, s9;
	s6 =	sadd.s32 @!p0 $0x88, s6;
	s7 =	simm.s32 @p2 $0x1082  }
0x22: {  	[simem:s7], [sflag:s8] =	dma.local @!p0 [hbm:s6], $0xF7A  }
0x23: {  	s9 =	sor.u32 $0xD0000000, s2;
	s6 =	simm.s32 $0x108;
	_ =	swait.ge @!p0 [sflag:s8], $0x0  }
0x24: {  	s3 =	sadd.s32 $0x88, s3;
	s6 =	simm.s32 @!p1 $0x1082;
	[sflag:s4] =	ssyncset.s32 $0xFFFFF086  }
0x25: {  	[simem:s6], [sflag:s4] =	dma.local [hbm:s3], $0xF7A  }
0x26: {  	[smem:$0x3F9E] =	sst s1;
	(tag) =	ssettag s2;
	_ =	strace s9  }
0x27: {  	s1 =	sld [smem:$0x3FAE]  }
0x28: {  	s2 =	sld [smem:$0x3FAF]  }
0x29: {  	s4 =	sld [smem:$0x3FB1]  }
0x2a: {  	p0 =	seq.s32 s5, $0x0;
	s5 =	sld [smem:$0x3FB2]  }
0x2b: {  	s6 =	sld [smem:$0x3FB3]  }
0x2c: {  	s7 =	sld [smem:$0x3FB4]  }
0x2d: {  	s3 =	simm.s32 $0x108;
	s8 =	sld [smem:$0x3FB5]  }
0x2e: {  	s3 =	simm.s32 @!p0 $0x1082;
	s9 =	sld [smem:$0x3FB6]  }
0x2f: {  	lr =	sadd.s32 s0, s3;
	s0 =	sld [smem:$0x3FAD]  }
0x30: {  	s3 =	sld [smem:$0x3FB0]  }
0x31: {  	[smem:$0x3FB9] =	sst s10  }
0x32: {  	s10 =	sld [smem:$0x3FB7];
	_ =	sdelay $0x3  }
0x33: {  	p0 =	seq.s32 s10, $0x1;
	s10 =	sld [smem:$0x3FB9];
	_ =	sdelay $0x3  }
0x34: {  	[smem:$0x3FB9] =	sst s10  }
0x35: {  	s10 =	sld [smem:$0x3FB8];
	_ =	sdelay $0x3  }
0x36: {  	p1 =	seq.s32 s10, $0x1;
	s10 =	sld [smem:$0x3FB9];
	_ =	sdelay $0x3  }
0x37: {  	[smem:$0x3FB9] =	sst s10  }
0x38: {  	s10 =	sld [smem:$0x3FBA]  }
0x39: {  	_ = 	snop;
	(pc) =	sbr.ind lr, $3  }
0x3a: {  	_ = 	snop  }
0x3b: {  	_ = 	snop  }
0x3c: {  	p2 =	seq.s32 s10, $0x1;
	s10 =	sld [smem:$0x3FB9]  }
0x3d: {  	_ =	shalt  }
0x3e: {  	_ =	shalt  }
0x3f: {  	_ =	shalt  }
0x40: {  	_ =	shalt  }
0x41: {  	_ =	shalt  }
0x42: {  	_ =	shalt  }
0x43: {  	_ =	shalt  }
0x44: {  	_ =	shalt  }
0x45: {  	_ =	shalt  }
0x46: {  	_ =	shalt  }
0x47: {  	_ =	shalt  }
0x48: {  	_ =	shalt  }
0x49: {  	_ =	shalt  }
0x4a: {  	_ =	shalt  }
0x4b: {  	_ =	shalt  }
0x4c: {  	_ =	shalt  }
0x4d: {  	_ =	shalt  }
0x4e: {  	_ =	shalt  }
0x4f: {  	_ =	shalt  }
0x50: {  	_ =	shalt  }
0x51: {  	_ =	shalt  }
0x52: {  	_ =	shalt  }
0x53: {  	_ =	shalt  }
0x54: {  	_ =	shalt  }
0x55: {  	_ =	shalt  }
0x56: {  	_ =	shalt  }
0x57: {  	_ =	shalt  }
0x58: {  	_ =	shalt  }
0x59: {  	_ =	shalt  }
0x5a: {  	_ =	shalt  }
0x5b: {  	_ =	shalt  }
0x5c: {  	_ =	shalt  }
0x5d: {  	_ =	shalt  }
0x5e: {  	_ =	shalt  }
0x5f: {  	_ =	shalt  }
0x60: {  	_ =	shalt  }
0x61: {  	_ =	shalt  }
0x62: {  	_ =	shalt  }
0x63: {  	_ =	shalt  }
0x64: {  	_ =	shalt  }
0x65: {  	_ =	shalt  }
0x66: {  	_ =	shalt  }
0x67: {  	_ =	shalt  }
0x68: {  	_ =	shalt  }
0x69: {  	_ =	shalt  }
0x6a: {  	_ =	shalt  }
0x6b: {  	_ =	shalt  }
0x6c: {  	_ =	shalt  }
0x6d: {  	_ =	shalt  }
0x6e: {  	_ =	shalt  }
0x6f: {  	_ =	shalt  }
0x70: {  	_ =	shalt  }
0x71: {  	_ =	shalt  }
0x72: {  	_ =	shalt  }
0x73: {  	_ =	shalt  }
0x74: {  	_ =	shalt  }
0x75: {  	_ =	shalt  }
0x76: {  	_ =	shalt  }
0x77: {  	_ =	shalt  }
0x78: {  	_ =	shalt  }
0x79: {  	_ =	shalt  }
0x7a: {  	_ =	shalt  }
0x7b: {  	_ =	shalt  }
0x7c: {  	_ =	shalt  }
0x7d: {  	_ =	shalt  }
0x7e: {  	_ =	shalt  }
0x7f: {  	_ =	shalt  }
0x80: {  	_ =	shalt  }
0x81: {  	_ =	shalt  }
0x82: {  	_ =	shalt  }
0x83: {  	_ =	shalt  }
0x84: {  	_ =	shalt  }
0x85: {  	_ =	shalt  }
0x86: {  	_ =	shalt  }
0x87: {  	_ =	shalt  }
.Lfunc_end0:
.L_simem_size_0:
called_computation_lowered:
.L_overlay_start_0:
0x88: {  	s2 =	sld [smem:$0x3FD9]  }
0x89: {  	s3 =	sld [smem:$0x3FFE];
	_ =	sdelay $0x1  }
0x8a: {  	s1 =	srdreg.scid  }
0x8b: {  	s0 =	sand.u32 $0x1, s1  }
0x8c: {  	s14 =	sshll.u32 s0, $0xA;
	s2 =	sadd.s32 s3, s2  }
0x8d: {  	s2 =	sadd.s32 s2, s14  }
0x8e: {  	[smem:$0x3FC5] =	sst s2  }
0x8f: {  	_ = 	snop  }
0x90: {  	s2 =	sld [smem:$0x3FD0];
	_ =	sdelay $0x2  }
0x91: {  	s15 =	simm.s32 $0xA;
	s4 =	simm.s32 $0x10  }
0x92: {  	[smem:s4], [sflag:s15] =	dma.local [hbm:s2], $0x1  }
0x93: {  	_ =	swait.eq [sflag:s15], $0x1  }
0x94: {  	[sflag:s15] =	ssyncset.done $0x0  }
0x95: {  	[sflag:s15] =	ssyncadd.s32 $0xFFFFFFFF  }
0x96: {  	s16 =	sld [smem:$0x12];
	(tm) =	ssettm $0x1  }
0x97: {  	s17 =	sld [smem:$0x3FFB];
	_ =	sdelay $0x3  }
0x98: {  	_ =	strace s17  }
0x99: {  	s3 =	sld [smem:$0x3FFC];
	_ =	sdelay $0x3  }
0x9a: {  	_ =	strace s3  }
0x9b: {  	s3 =	sld [smem:$0x3FFD];
	_ =	sdelay $0x3  }
0x9c: {  	_ =	strace s3  }
0x9d: {  	_ =	strace $0x8FFFFFFF  }
0x9e: {  	s18 =	sld [smem:$0x3FDB];
	_ =	sdelay $0x1  }
0x9f: {  	s19 =	simm.s32 $_scs_section_size  }
0xa0: {  	s5 =	simm.s32 $_size__tile_overlayer_lowered;
	s6 =	simm.s32 $_tile_overlayer_lowered  }
0xa1: {  	s22 =	simm.s32 $0x1BFF;
	s21 =	sshll.u32 s6, $0x1;
	s3 =	sadd.s32 s19, s18  }
0xa2: {  	s7 =	simm.s32 $0x0;
	s20 =	sshll.u32 s5, $0x1;
	s5 =	sadd.s32 s21, s3  }
0xa3: {  	[timem:s7], [sflag:s22] =	dma.local [hbm:s5], s20  }
0xa4: {  	_ =	swait.ge [sflag:s22], s20  }
0xa5: {  	s4 =	ssub.s32 $0x0, s20;
	[sflag:s22] =	ssyncset.done $0x0  }
0xa6: {  	[sflag:s22] =	ssyncadd.s32 s4;
	_ =	sdelay $0x1  }
0xa7: {  	s23 =	simm.s32 $0x1B8B  }
0xa8: {  	_ =	swait.ge [sflag:s23], $0x1  }
0xa9: {  	[sflag:s23] =	ssyncset.done $0x0  }
0xaa: {  	s25 =	simm.s32 $0x1B8E;
	s24 =	sld [smem:$0x3FFE];
	[sflag:s23] =	ssyncadd.s32 $0xFFFFFFFF  }
0xab: {  	s26 =	simm.s32 $execute0_lowered;
	[smem:$0x3FD2] =	sst s25  }
0xac: {  	s5 =	sshll.u32 s26, $0x1;
	_ =	strace $0x80000046;
	[dreg:$0x1] =	wrdreg $0xFFFFFFFF  }
0xad: {  	s28 =	simm.s32 $_size_execute0_lowered;
	s3 =	sadd.s32 s3, s5;
	[dreg:$0x0] =	wrdreg $0x0  }
0xae: {  	s5 =	sshll.u32 s28, $0x1;
	[dreg:$0x2] =	wrdreg s3  }
0xaf: {  	[dreg:$0x3] =	wrdreg s5  }
0xb0: {  	[dreg:$0x4] =	wrdreg $0xC0  }
0xb1: {  	_ =	task [dreg:s7], $0x5FFFF  }
0xb2: {  	[dreg:$0x1] =	wrdreg $0xFFFFFFFF  }
0xb3: {  	[dreg:$0x0] =	wrdreg $0x60  }
0xb4: {  	[dreg:$0x2] =	wrdreg s24  }
0xb5: {  	[dreg:$0x3] =	wrdreg s16  }
0xb6: {  	[dreg:$0x4] =	wrdreg $0x9  }
0xb7: {  	_ =	task.clear_ibuf [dreg:s7], $0x5FFFF;
	_ =	strace $0x90000046  }
0xb8: {  	s29 =	simm.s32 $0x9;
	_ =	strace $0x80000048  }
0xb9: {  	_ =	swait.ge [sflag:s29], $0x1  }
0xba: {  	[sflag:s29] =	ssyncadd.s32 $0xFFFFFFFF  }
0xbb: {  	_ =	strace $0x90000048  }
0xbc: {  	_ =	sfence  }
0xbd: {  	s30 =	sld [smem:$0x0];
	_ =	sdelay $0x2  }
0xbe: {  	s31 =	sshll.u32 s1, $0xD;
	s1 =	sshrl.u32 s1, $0x2  }
0xbf: {  	s3 =	sand.u32 $0x4000, s31;
	s1 =	sadd.s32 s1, s30  }
0xc0: {  	s0 =	sor.u32 s3, s0;
	s1 =	sshll.u32 s1, $0x11  }
0xc1: {  	s0 =	sor.u32 s1, s0  }
0xc2: {  	s0 =	sadd.s32 $0x8F2B, s0  }
0xc3: {  	[sflag:s0] =	ssyncadd.remote.s32 $0x1  }
0xc4: {  	_ =	sfence.sel $0xFFFF  }
0xc5: {  	[dreg:$0x0] =	wrdreg $0xFFFFFFFF;
	(pc) =	sbr.abs _section_cstart, $3  }
0xc6: {  	[dreg:$0x1] =	wrdreg $0xFFFFFFFF  }
0xc7: {  	_ =	task.clear_ibuf [dreg:s7], $0x2FFFF;
	_ =	strace $0x9FFFFFFF  }
0xc8: {  	(tm) =	ssettm $0x7FFFFFFF  }
0xc9: {  	_ =	shalt  }
tec
execute0_lowered:
.L_overlay_start_1:
0x0: {  	(tag) =	ssettag $0x1  }
0x1: {  	s3 =	rddreg [dreg:$0x0]  }
0x2: {  	s0 =	srdreg.scid;
	s5 =	rddreg [dreg:$0x1]  }
0x3: {  	s1 =	stileid.u32;
	s2 =	simm.s32 $0x0;
	s4 =	sand.u32 $0x1, s0  }
0x4: {  	s10 =	simm.s32 $0x0;
	s0 =	rddreg [dreg:$0x2];
	s6 =	sshll.u32 s4, $0x4  }
0x5: {  	[smem:$0x7FF] =	sst s2;
	s4 =	ssub.s32 $0x2, s4;
	s6 =	sor.u32 s1, s6  }
0x6: {  	_ =	strace $0x80000047;
	s31 =	sshrl.u32 s4, $0x1;
	s8 =	smul.u32 $0xC00, s6  }
0x7: {  	s7 =	sshll.u32 s6, $0xC;
	s6 =	sshll.u32 s6, $0x2;
	s9 =	ssub.s32 s4, s31  }
0x8: {  	s7 =	sadd.s32 s7, s3;
	s8 =	sadd.s32 s8, s3;
	s3 =	sadd.s32 s5, s6  }
0x9: {  	s4 =	sadd.s32 $0xC00, s7;
	s6 =	smax.u32 s9, $0x1;
	s7 =	simm.s32 $0x1  }
0xa: {  	v0 =	vimm.f32 $0.0e+00;
	s9 =	simm.s32 $0x8080;
	s5 =	sadd.s32 $0x20C00, s8;
	s8 =	simm.s32 $0x80  }
.LBB2_1:
0xb: {  	s11 =	simm.s32 $0x0  }
.LBB2_2:
0xc: {  	s12 =	sshll.u32 s11, $0xA;
	s13 =	sshll.u32 s11, $0x7  }
0xd: {  	s12 =	sand.u32 $0x6000, s12;
	s13 =	sand.u32 $0x380, s13  }
0xe: {  	s13 =	sor.u32 s13, s12;
	s12 =	simm.s32 $0x0  }
0xf: {  	s13 =	sadd.s32 $0x8080, s13;
	s14 =	sand.u32 $0x1C00, s12  }
0x10: {  	s15 =	sand.u32 $0x70, s12;
	s16 =	sadd.s32 s14, s13  }
0x11: {  	s14 =	simm.s32 $0x10;
	s15 =	sadd.s32 s15, s16  }
.LBB2_3:
0x12: {  	p0 =	sne.s32 s14, $0x3F0  }
0x13: {  	[tilespmem:s15+$0x0] =	vst v0;
	s12 =	sadd.s32 $0x80, s12;
	s15 =	smov.u32 s14;
	s14 =	sadd.s32 $0x10, s14  }
.Ltmp0:
0x14: {  	(pc) =	sbr.rel @p0 .LBB2_3-.Ltmp0, $4  }
0x15: {  	_ = 	snop  }
0x16: {  	s16 =	sand.u32 $0x1C00, s12  }
0x17: {  	s15 =	sand.u32 $0x70, s15;
	s16 =	sadd.s32 s16, s13  }
0x18: {  	s15 =	sadd.s32 s15, s16  }
0x19: {  	s11 =	sadd.s32 $0x1, s11  }
0x1a: {  	p0 =	sne.s32 s11, $0x15  }
.Ltmp1:
0x1b: {  	_ = 	snop;
	(pc) =	sbr.rel @p0 .LBB2_2-.Ltmp1, $2  }
0x1c: {  	_ =	sdelay $0x2  }
0x1d: {  	[tilespmem:s15+$0x0] =	vst v0  }
0x1e: {  	s11 =	simm.s32 $0x0  }
0x1f: {  	[tilespmem:s11], [sflag:$0x1] =	stream.linear.gather [hbm4b:s3+s11], $0x20, $0x38;
	[tilespmem:$0xE080] =	vst v63  }
0x20: {  	_ =	swait.ge [sflag:s7], $0x20  }
0x21: {  	[sflag:s7] =	ssyncset.done $0x0  }
0x22: {  	[sflag:s7] =	ssyncadd.s32 $0xFFFFFFE0  }
0x23: {  	[tilespmem:s8], [sflag:$0x1] =	stream.linear.gather [hbm4b:s4+s11], $0x8000, $0x38;
	[tilespmem:$0xE080] =	vst v63  }
0x24: {  	_ =	swait.ge [sflag:s7], $0x8000  }
0x25: {  	[sflag:s7] =	ssyncset.done $0x0  }
0x26: {  	s12 =	simm.s32 $0x0;
	[sflag:s7] =	ssyncadd.s32 $0xFFFF8000  }
.LBB2_6:
0x27: {  	v1 =	vld [tilespmem:s12+$0x0];
	_ =	sdelay $0x4  }
0x28: {  	(v2sf) =	vpush v1, $0x0;
	_ =	sdelay $0xb  }
0x29: {  	s13 =	sshll.u32 s12, $0xA;
	s14 =	sshll.u32 s12, $0x7  }
0x2a: {  	s13 =	sand.u32 $0x6000, s13;
	s14 =	sand.u32 $0x380, s14  }
0x2b: {  	s16 =	sand.u32 $0x1C00, s11;
	s13 =	sor.u32 s14, s13  }
0x2c: {  	s14 =	sand.u32 $0x70, s11;
	s13 =	sadd.s32 $0x80, s13;
	s15 =	spop (v2sf)  }
0x2d: {  	s18 =	sadd.s32 s16, s13;
	s30 =	sshll.u32 s15, $0xA;
	s31 =	sshll.u32 s15, $0x7  }
0x2e: {  	s18 =	sadd.s32 s14, s18;
	s17 =	sand.u32 $0xFFFFE000, s30;
	s15 =	sand.u32 $0x380, s31  }
0x2f: {  	v1 =	vld [tilespmem:s18+$0x0];
	s15 =	sor.u32 s15, s17  }
0x30: {  	s18 =	simm.s32 $0x80;
	s17 =	simm.s32 $0x10;
	s15 =	sadd.s32 $0x8080, s15  }
.LBB2_7:
0x31: {  	s19 =	sand.u32 $0x1C00, s18;
	s20 =	smov.u32 s17;
	p0 =	sne.s32 s17, $0x3F0  }
.Ltmp2:
0x32: {  	s17 =	sadd.s32 $0x10, s17;
	s16 =	sadd.s32 s16, s15;
	(pc) =	sbr.rel @p0 .LBB2_7-.Ltmp2, $4  }
0x33: {  	s21 =	sadd.s32 s19, s13;
	s16 =	sadd.s32 s14, s16;
	s14 =	sand.u32 $0x70, s20  }
0x34: {  	s20 =	sadd.s32 s14, s21;
	[tilespmem:s16+$0x0] =	vst.add.f32.msk $0xffff, v1;
	s16 =	smov.u32 s19  }
0x35: {  	v1 =	vld [tilespmem:s20+$0x0]  }
0x36: {  	s18 =	sadd.s32 $0x80, s18  }
0x37: {  	s12 =	sadd.s32 $0x1, s12  }
0x38: {  	p0 =	sne.s32 s12, $0x20  }
.Ltmp3:
0x39: {  	_ = 	snop;
	(pc) =	sbr.rel @p0 .LBB2_6-.Ltmp3, $4  }
0x3a: {  	_ = 	snop  }
0x3b: {  	s13 =	sadd.s32 s16, s15  }
0x3c: {  	s13 =	sadd.s32 s14, s13  }
0x3d: {  	[tilespmem:s13+$0x0] =	vst.add.f32.msk $0xffff, v1  }
0x3e: {  	s10 =	sadd.s32 $0x1, s10  }
0x3f: {  	p0 =	sne.s32 s10, s6  }
.Ltmp4:
0x40: {  	_ = 	snop;
	(pc) =	sbr.rel @p0 .LBB2_1-.Ltmp4, $4  }
0x41: {  	[hbm4b:s5+s2] =	stream.linear.scatter [tilespmem:s9], [sflag:$0x1], $0x6000, $0x38;
	[tilespmem:$0xE080] =	vst v63  }
0x42: {  	_ =	swait.ge [sflag:s7], $0x6000  }
0x43: {  	[sflag:s7] =	ssyncset.done $0x0  }
0x44: {  	[sflag:s7] =	ssyncadd.s32 $0xFFFFA000  }
0x45: {  	_ =	sfence.sel $0x180000  }
0x46: {  	[bflag:$0x0] =	sbarrier.arrive $0xFFFF  }
0x47: {  	p0 =	sne.s32 s1, $0x0;
	_ =	strace $0x90000047  }
0x48: {  	s0 =	sadd.s32 @!p0 $0x100000, s0;
	[bflag:$0x2] =	sbarrier.arrive $0xFFFF  }
0x49: {  	[sflag:s0] =	ssyncadd.tile.s32 @!p0 $0x1;
	_ =	shalt  }
.Lfunc_end2:
_tile_overlayer_lowered:
.L_overlay_start_2:
0x4a: {  	(tag) =	ssettag $0x2  }
0x4b: {  	s0 =	rddreg [dreg:$0x0];
	s2 =	stileid.u32  }
0x4c: {  	s1 =	rddreg [dreg:$0x1];
	p0 =	sne.s32 s2, $0x0  }
0x4d: {  	s3 =	rddreg [dreg:$0x2];
	[bflag:$0x3] =	sbarrier.arrive $0xFFFF;
	s2 =	simm.s32 @!p0 $0x1C01  }
0x4e: {  	[timem:s3], [sflag:s2] =	dma.local @!p0 [hbm:s0], s1  }
0x4f: {  	s0 =	simm.s32 @!p0 $0x1  }
0x50: {  	_ =	swait.ge @!p0 [sflag:s0], s1  }
0x51: {  	s1 =	ssub.s32 @!p0 $0x0, s1;
	[sflag:s0] =	ssyncset.done @!p0 $0x0  }
0x52: {  	[sflag:s0] =	ssyncadd.s32 @!p0 s1  }
0x53: {  	[bflag:$0x3] =	sbarrier.arrive $0xFFFF  }
0x54: {  	_ =	shalt  }

</sc_bundles>
